<compile_context>
chip_gen: v7x
topology: tpu7x:2x2x1
jax: 0.10.2.dev20260603
libtpu: 0.0.44.dev20260713+nightly
codegen_flags: <defaults>
</compile_context>

<pallas_src>
import jax
import jax.numpy as jnp
from jax import lax
from jax.experimental import pallas as pl
from jax.experimental.pallas import tpu as pltpu
from jax.experimental.pallas import tpu_sc as plsc

PAIRS = [[1,0],[0,5],[1,3],[0,2],[1,7],[0,11],[1,1],[0,0],[1,9],[0,7],[1,4],[0,9],[1,12],[0,3],[1,6],[0,14],[1,2],[0,1],[1,15],[0,13],[1,8],[0,6],[1,10],[0,4],[1,5],[0,8],[1,14],[0,10],[1,13],[0,12],[1,11],[0,15]]

_A = [o for l, o in PAIRS if l == 1]
_B = [o for l, o in PAIRS if l == 0]


def _pack4(vals):
    acc = 0
    for i, v in enumerate(vals):
        acc |= v << (4 * i)
    return jnp.int32(acc - (1 << 32) if acc >= (1 << 31) else acc)


_D = 256


def _unpack(lo, hi, k):
    word = jnp.where(k < 8, lo, hi)
    return (word >> (4 * (k & 7))) & 15


def _body(l1_hbm, l0_hbm, out_hbm, row_v, buf_v, sem1, sem0, out_sem):
    k = lax.axis_index("s")
    a = _unpack(_pack4(_A[:8]), _pack4(_A[8:]), k)
    b = _unpack(_pack4(_B[:8]), _pack4(_B[8:]), k)

    cp0 = pltpu.async_copy(l0_hbm.at[pl.ds(b * 8, 8)], buf_v, sem0)
    cp1 = pltpu.async_copy(l1_hbm.at[pl.ds(a, 1)], row_v, sem1)
    cp1.wait()
    sts = [
        pltpu.async_copy(row_v, out_hbm.at[pl.ds(k * 16 + j, 1)], out_sem)
        for j in range(8)
    ]
    cp0.wait()
    sts.append(
        pltpu.async_copy(buf_v, out_hbm.at[pl.ds(k * 16 + 8, 8)], out_sem)
    )
    for st in sts:
        st.wait()


def _make_sc_gather():
    return pl.kernel(
        _body,
        out_type=jax.ShapeDtypeStruct((256, _D), jnp.float32),
        mesh=plsc.VectorSubcoreMesh(
            core_axis_name="c",
            subcore_axis_name="s",
            num_cores=1,
            num_subcores=16,
        ),
        scratch_types=[
            pltpu.VMEM((1, _D), jnp.float32),
            pltpu.VMEM((8, _D), jnp.float32),
            pltpu.SemaphoreType.DMA,
            pltpu.SemaphoreType.DMA,
            pltpu.SemaphoreType.DMA,
        ],
    )


@jax.jit
def kernel(layer1, layer0):
    l1f = layer1.reshape(layer1.shape[0], _D)
    l0f = layer0.reshape(layer0.shape[0] * 8, _D)
    out = _make_sc_gather()(l1f, l0f)
    return out.reshape(32, 8, _D)

# --- scband reference (transcript-rebuilt; emitter-appended) ---
"""Pipeline reference for scband-gather-module-44143673868744 (READ-ONLY COPY).

The authoritative reference and input builder live on the scoring server;
editing this copy changes nothing except your own understanding.
"""

import jax, jax.numpy as jnp
import numpy as np

PAIRS = [[1,0],[0,5],[1,3],[0,2],[1,7],[0,11],[1,1],[0,0],[1,9],[0,7],[1,4],[0,9],[1,12],[0,3],[1,6],[0,14],[1,2],[0,1],[1,15],[0,13],[1,8],[0,6],[1,10],[0,4],[1,5],[0,8],[1,14],[0,10],[1,13],[0,12],[1,11],[0,15]]


def _build_indices():
    layers = sorted(set(l for l, _ in PAIRS), reverse=True)
    per_layer = {l: sorted(set(o for ll, o in PAIRS if ll == l)) for l in layers}
    sizes = [len(per_layer[l]) for l in layers]
    prefixes = np.concatenate([[0], np.cumsum(sizes)[:-1]]).astype(np.int64)
    omap = {l: {o: i for i, o in enumerate(per_layer[l])} for l in layers}
    concat = np.array([int(prefixes[layers.index(l)]) + omap[l][o] for l, o in PAIRS], dtype=np.int64)
    per_layer_arr = {l: np.array(per_layer[l], dtype=np.int64) for l in layers}
    return layers, per_layer_arr, concat


def setup_inputs(seed: int = 0) -> dict:
    key = jax.random.key(seed)
    k1, k2 = jax.random.split(key)
    layer1 = jax.random.normal(k1, (4096, 1, 256), dtype=jnp.float32)
    layer0 = jax.random.normal(k2, (4096, 8, 256), dtype=jnp.float32)
    return {"layer1": layer1, "layer0": layer0}


def reference(layer1, layer0):
    layers, per_layer_ord, concat = _build_indices()
    layer_values = {1: layer1, 0: layer0}
    gathered = [jnp.take(layer_values[l], jnp.asarray(per_layer_ord[l]), axis=0) for l in layers]
    hull1 = max(v.shape[1] for v in gathered)
    hull2 = max(v.shape[2] for v in gathered)
    gathered = [jnp.broadcast_to(v, (v.shape[0], hull1, hull2)) for v in gathered]
    cat = jnp.concatenate(gathered, axis=0)
    out = jnp.take(cat, jnp.asarray(concat), axis=0)
    return out

if __name__ == "__main__":
    import jax
    _d = setup_inputs()
    print(jax.jit(kernel)(*tuple(_d.values())))

</pallas_src>

<mosaic_0001>
#map = affine_map<(d0, d1) -> (0, 0)>
module attributes {stable_mosaic.version = 14 : i64} {
  func.func @_body(%arg0: i32, %arg1: i32, %arg2: memref<4096x256xf32, #tpu.memory_space<hbm>>, %arg3: memref<32768x256xf32, #tpu.memory_space<hbm>>, %arg4: memref<256x256xf32, #tpu.memory_space<hbm>>, %arg5: memref<1x256xf32, #tpu.memory_space<vmem>>, %arg6: memref<8x256xf32, #tpu.memory_space<vmem>>, %arg7: memref<!tpu.dma_semaphore, #tpu.memory_space<semaphore_mem>>, %arg8: memref<!tpu.dma_semaphore, #tpu.memory_space<semaphore_mem>>, %arg9: memref<!tpu.dma_semaphore, #tpu.memory_space<semaphore_mem>>) attributes {dimension_semantics = [#tpu.dimension_semantics<core_parallel>, #tpu.dimension_semantics<subcore_parallel>], iteration_bounds = array<i64: 1, 16>, scalar_prefetch = 0 : i64, scratch_operands = 5 : i64, tpu.core_type = #tpu.core_type<sc_vector_subcore>, window_params = [{transform_indices = #map}, {transform_indices = #map}, {transform_indices = #map}]} {
    %lt3A = arith.constant 8 : i32
    %lt3A_0 = arith.cmpi slt, %arg1, %lt3A : i32
    %jit3A = arith.constant 1816729392 : i32
    %jit3A_1 = arith.constant -1109022478 : i32
    %select_n3A = arith.select %lt3A_0, %jit3A, %jit3A_1 : i32
    %and3A = arith.constant 7 : i32
    %and3A_2 = arith.andi %arg1, %and3A : i32
    %mul3A = arith.constant 4 : i32
    %mul3A_3 = arith.muli %mul3A, %and3A_2 : i32
    %shift_right_arithmetic3A = arith.shrsi %select_n3A, %mul3A_3 : i32
    %and3A_4 = arith.constant 15 : i32
    %and3A_5 = arith.andi %shift_right_arithmetic3A, %and3A_4 : i32
    %lt3A_6 = arith.constant 8 : i32
    %lt3A_7 = arith.cmpi slt, %arg1, %lt3A_6 : i32
    %jit3A_8 = arith.constant -476640475 : i32
    %jit3A_9 = arith.constant -56080687 : i32
    %select_n3A_10 = arith.select %lt3A_7, %jit3A_8, %jit3A_9 : i32
    %and3A_11 = arith.constant 7 : i32
    %and3A_12 = arith.andi %arg1, %and3A_11 : i32
    %mul3A_13 = arith.constant 4 : i32
    %mul3A_14 = arith.muli %mul3A_13, %and3A_12 : i32
    %shift_right_arithmetic3A_15 = arith.shrsi %select_n3A_10, %mul3A_14 : i32
    %and3A_16 = arith.constant 15 : i32
    %and3A_17 = arith.andi %shift_right_arithmetic3A_15, %and3A_16 : i32
    %mul3A_18 = arith.constant 8 : i32
    %mul3A_19 = arith.muli %and3A_17, %mul3A_18 : i32
    %dma_start3A = arith.constant 0 : i32
    %dma_start3A_20 = tpu.memref_slice %arg3[%mul3A_19, %dma_start3A] : memref<32768x256xf32, #tpu.memory_space<hbm>> -> memref<8x256xf32, #tpu.memory_space<hbm>>
    %dma_start3A_21 = arith.constant 0 : i32
    %dma_start3A_22 = tpu.memref_slice %arg3[%mul3A_19, %dma_start3A_21] : memref<32768x256xf32, #tpu.memory_space<hbm>> -> memref<8x256xf32, #tpu.memory_space<hbm>>
    tpu.enqueue_dma source(%dma_start3A_22 : memref<8x256xf32, #tpu.memory_space<hbm>>) target(%arg6 : memref<8x256xf32, #tpu.memory_space<vmem>>) target_semaphore(%arg8 : memref<!tpu.dma_semaphore, #tpu.memory_space<semaphore_mem>>)
    %dma_start3A_23 = arith.constant 0 : i32
    %dma_start3A_24 = tpu.memref_slice %arg2[%and3A_5, %dma_start3A_23] : memref<4096x256xf32, #tpu.memory_space<hbm>> -> memref<1x256xf32, #tpu.memory_space<hbm>>
    %dma_start3A_25 = arith.constant 0 : i32
    %dma_start3A_26 = tpu.memref_slice %arg2[%and3A_5, %dma_start3A_25] : memref<4096x256xf32, #tpu.memory_space<hbm>> -> memref<1x256xf32, #tpu.memory_space<hbm>>
    tpu.enqueue_dma source(%dma_start3A_26 : memref<1x256xf32, #tpu.memory_space<hbm>>) target(%arg5 : memref<1x256xf32, #tpu.memory_space<vmem>>) target_semaphore(%arg7 : memref<!tpu.dma_semaphore, #tpu.memory_space<semaphore_mem>>)
    %dma_wait3A = arith.constant 0 : i32
    %dma_wait3A_27 = tpu.memref_slice %arg2[%and3A_5, %dma_wait3A] : memref<4096x256xf32, #tpu.memory_space<hbm>> -> memref<1x256xf32, #tpu.memory_space<hbm>>
    %dma_wait3A_28 = arith.constant 0 : i32
    %dma_wait3A_29 = tpu.memref_slice %arg2[%and3A_5, %dma_wait3A_28] : memref<4096x256xf32, #tpu.memory_space<hbm>> -> memref<1x256xf32, #tpu.memory_space<hbm>>
    tpu.wait_dma2 semaphore(%arg7 : memref<!tpu.dma_semaphore, #tpu.memory_space<semaphore_mem>>) src(%dma_wait3A_29 : memref<1x256xf32, #tpu.memory_space<hbm>>) dst(%arg5 : memref<1x256xf32, #tpu.memory_space<vmem>>)
    %mul3A_30 = arith.constant 16 : i32
    %mul3A_31 = arith.muli %arg1, %mul3A_30 : i32
    %add3A = arith.constant 0 : i32
    %add3A_32 = arith.addi %mul3A_31, %add3A : i32
    %dma_start3A_33 = arith.constant 0 : i32
    %dma_start3A_34 = tpu.memref_slice %arg4[%add3A_32, %dma_start3A_33] : memref<256x256xf32, #tpu.memory_space<hbm>> -> memref<1x256xf32, #tpu.memory_space<hbm>>
    %dma_start3A_35 = arith.constant 0 : i32
    %dma_start3A_36 = tpu.memref_slice %arg4[%add3A_32, %dma_start3A_35] : memref<256x256xf32, #tpu.memory_space<hbm>> -> memref<1x256xf32, #tpu.memory_space<hbm>>
    tpu.enqueue_dma source(%arg5 : memref<1x256xf32, #tpu.memory_space<vmem>>) target(%dma_start3A_36 : memref<1x256xf32, #tpu.memory_space<hbm>>) target_semaphore(%arg9 : memref<!tpu.dma_semaphore, #tpu.memory_space<semaphore_mem>>)
    %mul3A_37 = arith.constant 16 : i32
    %mul3A_38 = arith.muli %arg1, %mul3A_37 : i32
    %add3A_39 = arith.constant 1 : i32
    %add3A_40 = arith.addi %mul3A_38, %add3A_39 : i32
    %dma_start3A_41 = arith.constant 0 : i32
    %dma_start3A_42 = tpu.memref_slice %arg4[%add3A_40, %dma_start3A_41] : memref<256x256xf32, #tpu.memory_space<hbm>> -> memref<1x256xf32, #tpu.memory_space<hbm>>
    %dma_start3A_43 = arith.constant 0 : i32
    %dma_start3A_44 = tpu.memref_slice %arg4[%add3A_40, %dma_start3A_43] : memref<256x256xf32, #tpu.memory_space<hbm>> -> memref<1x256xf32, #tpu.memory_space<hbm>>
    tpu.enqueue_dma source(%arg5 : memref<1x256xf32, #tpu.memory_space<vmem>>) target(%dma_start3A_44 : memref<1x256xf32, #tpu.memory_space<hbm>>) target_semaphore(%arg9 : memref<!tpu.dma_semaphore, #tpu.memory_space<semaphore_mem>>)
    %mul3A_45 = arith.constant 16 : i32
    %mul3A_46 = arith.muli %arg1, %mul3A_45 : i32
    %add3A_47 = arith.constant 2 : i32
    %add3A_48 = arith.addi %mul3A_46, %add3A_47 : i32
    %dma_start3A_49 = arith.constant 0 : i32
    %dma_start3A_50 = tpu.memref_slice %arg4[%add3A_48, %dma_start3A_49] : memref<256x256xf32, #tpu.memory_space<hbm>> -> memref<1x256xf32, #tpu.memory_space<hbm>>
    %dma_start3A_51 = arith.constant 0 : i32
    %dma_start3A_52 = tpu.memref_slice %arg4[%add3A_48, %dma_start3A_51] : memref<256x256xf32, #tpu.memory_space<hbm>> -> memref<1x256xf32, #tpu.memory_space<hbm>>
    tpu.enqueue_dma source(%arg5 : memref<1x256xf32, #tpu.memory_space<vmem>>) target(%dma_start3A_52 : memref<1x256xf32, #tpu.memory_space<hbm>>) target_semaphore(%arg9 : memref<!tpu.dma_semaphore, #tpu.memory_space<semaphore_mem>>)
    %mul3A_53 = arith.constant 16 : i32
    %mul3A_54 = arith.muli %arg1, %mul3A_53 : i32
    %add3A_55 = arith.constant 3 : i32
    %add3A_56 = arith.addi %mul3A_54, %add3A_55 : i32
    %dma_start3A_57 = arith.constant 0 : i32
    %dma_start3A_58 = tpu.memref_slice %arg4[%add3A_56, %dma_start3A_57] : memref<256x256xf32, #tpu.memory_space<hbm>> -> memref<1x256xf32, #tpu.memory_space<hbm>>
    %dma_start3A_59 = arith.constant 0 : i32
    %dma_start3A_60 = tpu.memref_slice %arg4[%add3A_56, %dma_start3A_59] : memref<256x256xf32, #tpu.memory_space<hbm>> -> memref<1x256xf32, #tpu.memory_space<hbm>>
    tpu.enqueue_dma source(%arg5 : memref<1x256xf32, #tpu.memory_space<vmem>>) target(%dma_start3A_60 : memref<1x256xf32, #tpu.memory_space<hbm>>) target_semaphore(%arg9 : memref<!tpu.dma_semaphore, #tpu.memory_space<semaphore_mem>>)
    %mul3A_61 = arith.constant 16 : i32
    %mul3A_62 = arith.muli %arg1, %mul3A_61 : i32
    %add3A_63 = arith.constant 4 : i32
    %add3A_64 = arith.addi %mul3A_62, %add3A_63 : i32
    %dma_start3A_65 = arith.constant 0 : i32
    %dma_start3A_66 = tpu.memref_slice %arg4[%add3A_64, %dma_start3A_65] : memref<256x256xf32, #tpu.memory_space<hbm>> -> memref<1x256xf32, #tpu.memory_space<hbm>>
    %dma_start3A_67 = arith.constant 0 : i32
    %dma_start3A_68 = tpu.memref_slice %arg4[%add3A_64, %dma_start3A_67] : memref<256x256xf32, #tpu.memory_space<hbm>> -> memref<1x256xf32, #tpu.memory_space<hbm>>
    tpu.enqueue_dma source(%arg5 : memref<1x256xf32, #tpu.memory_space<vmem>>) target(%dma_start3A_68 : memref<1x256xf32, #tpu.memory_space<hbm>>) target_semaphore(%arg9 : memref<!tpu.dma_semaphore, #tpu.memory_space<semaphore_mem>>)
    %mul3A_69 = arith.constant 16 : i32
    %mul3A_70 = arith.muli %arg1, %mul3A_69 : i32
    %add3A_71 = arith.constant 5 : i32
    %add3A_72 = arith.addi %mul3A_70, %add3A_71 : i32
    %dma_start3A_73 = arith.constant 0 : i32
    %dma_start3A_74 = tpu.memref_slice %arg4[%add3A_72, %dma_start3A_73] : memref<256x256xf32, #tpu.memory_space<hbm>> -> memref<1x256xf32, #tpu.memory_space<hbm>>
    %dma_start3A_75 = arith.constant 0 : i32
    %dma_start3A_76 = tpu.memref_slice %arg4[%add3A_72, %dma_start3A_75] : memref<256x256xf32, #tpu.memory_space<hbm>> -> memref<1x256xf32, #tpu.memory_space<hbm>>
    tpu.enqueue_dma source(%arg5 : memref<1x256xf32, #tpu.memory_space<vmem>>) target(%dma_start3A_76 : memref<1x256xf32, #tpu.memory_space<hbm>>) target_semaphore(%arg9 : memref<!tpu.dma_semaphore, #tpu.memory_space<semaphore_mem>>)
    %mul3A_77 = arith.constant 16 : i32
    %mul3A_78 = arith.muli %arg1, %mul3A_77 : i32
    %add3A_79 = arith.constant 6 : i32
    %add3A_80 = arith.addi %mul3A_78, %add3A_79 : i32
    %dma_start3A_81 = arith.constant 0 : i32
    %dma_start3A_82 = tpu.memref_slice %arg4[%add3A_80, %dma_start3A_81] : memref<256x256xf32, #tpu.memory_space<hbm>> -> memref<1x256xf32, #tpu.memory_space<hbm>>
    %dma_start3A_83 = arith.constant 0 : i32
    %dma_start3A_84 = tpu.memref_slice %arg4[%add3A_80, %dma_start3A_83] : memref<256x256xf32, #tpu.memory_space<hbm>> -> memref<1x256xf32, #tpu.memory_space<hbm>>
    tpu.enqueue_dma source(%arg5 : memref<1x256xf32, #tpu.memory_space<vmem>>) target(%dma_start3A_84 : memref<1x256xf32, #tpu.memory_space<hbm>>) target_semaphore(%arg9 : memref<!tpu.dma_semaphore, #tpu.memory_space<semaphore_mem>>)
    %mul3A_85 = arith.constant 16 : i32
    %mul3A_86 = arith.muli %arg1, %mul3A_85 : i32
    %add3A_87 = arith.constant 7 : i32
    %add3A_88 = arith.addi %mul3A_86, %add3A_87 : i32
    %dma_start3A_89 = arith.constant 0 : i32
    %dma_start3A_90 = tpu.memref_slice %arg4[%add3A_88, %dma_start3A_89] : memref<256x256xf32, #tpu.memory_space<hbm>> -> memref<1x256xf32, #tpu.memory_space<hbm>>
    %dma_start3A_91 = arith.constant 0 : i32
    %dma_start3A_92 = tpu.memref_slice %arg4[%add3A_88, %dma_start3A_91] : memref<256x256xf32, #tpu.memory_space<hbm>> -> memref<1x256xf32, #tpu.memory_space<hbm>>
    tpu.enqueue_dma source(%arg5 : memref<1x256xf32, #tpu.memory_space<vmem>>) target(%dma_start3A_92 : memref<1x256xf32, #tpu.memory_space<hbm>>) target_semaphore(%arg9 : memref<!tpu.dma_semaphore, #tpu.memory_space<semaphore_mem>>)
    %dma_wait3A_93 = arith.constant 0 : i32
    %dma_wait3A_94 = tpu.memref_slice %arg3[%mul3A_19, %dma_wait3A_93] : memref<32768x256xf32, #tpu.memory_space<hbm>> -> memref<8x256xf32, #tpu.memory_space<hbm>>
    %dma_wait3A_95 = arith.constant 0 : i32
    %dma_wait3A_96 = tpu.memref_slice %arg3[%mul3A_19, %dma_wait3A_95] : memref<32768x256xf32, #tpu.memory_space<hbm>> -> memref<8x256xf32, #tpu.memory_space<hbm>>
    tpu.wait_dma2 semaphore(%arg8 : memref<!tpu.dma_semaphore, #tpu.memory_space<semaphore_mem>>) src(%dma_wait3A_96 : memref<8x256xf32, #tpu.memory_space<hbm>>) dst(%arg6 : memref<8x256xf32, #tpu.memory_space<vmem>>)
    %mul3A_97 = arith.constant 16 : i32
    %mul3A_98 = arith.muli %arg1, %mul3A_97 : i32
    %add3A_99 = arith.constant 8 : i32
    %add3A_100 = arith.addi %mul3A_98, %add3A_99 : i32
    %dma_start3A_101 = arith.constant 0 : i32
    %dma_start3A_102 = tpu.memref_slice %arg4[%add3A_100, %dma_start3A_101] : memref<256x256xf32, #tpu.memory_space<hbm>> -> memref<8x256xf32, #tpu.memory_space<hbm>>
    %dma_start3A_103 = arith.constant 0 : i32
    %dma_start3A_104 = tpu.memref_slice %arg4[%add3A_100, %dma_start3A_103] : memref<256x256xf32, #tpu.memory_space<hbm>> -> memref<8x256xf32, #tpu.memory_space<hbm>>
    tpu.enqueue_dma source(%arg6 : memref<8x256xf32, #tpu.memory_space<vmem>>) target(%dma_start3A_104 : memref<8x256xf32, #tpu.memory_space<hbm>>) target_semaphore(%arg9 : memref<!tpu.dma_semaphore, #tpu.memory_space<semaphore_mem>>)
    %dma_wait3A_105 = arith.constant 0 : i32
    %dma_wait3A_106 = tpu.memref_slice %arg4[%add3A_32, %dma_wait3A_105] : memref<256x256xf32, #tpu.memory_space<hbm>> -> memref<1x256xf32, #tpu.memory_space<hbm>>
    %dma_wait3A_107 = arith.constant 0 : i32
    %dma_wait3A_108 = tpu.memref_slice %arg4[%add3A_32, %dma_wait3A_107] : memref<256x256xf32, #tpu.memory_space<hbm>> -> memref<1x256xf32, #tpu.memory_space<hbm>>
    tpu.wait_dma2 semaphore(%arg9 : memref<!tpu.dma_semaphore, #tpu.memory_space<semaphore_mem>>) src(%arg5 : memref<1x256xf32, #tpu.memory_space<vmem>>) dst(%dma_wait3A_108 : memref<1x256xf32, #tpu.memory_space<hbm>>)
    %dma_wait3A_109 = arith.constant 0 : i32
    %dma_wait3A_110 = tpu.memref_slice %arg4[%add3A_40, %dma_wait3A_109] : memref<256x256xf32, #tpu.memory_space<hbm>> -> memref<1x256xf32, #tpu.memory_space<hbm>>
    %dma_wait3A_111 = arith.constant 0 : i32
    %dma_wait3A_112 = tpu.memref_slice %arg4[%add3A_40, %dma_wait3A_111] : memref<256x256xf32, #tpu.memory_space<hbm>> -> memref<1x256xf32, #tpu.memory_space<hbm>>
    tpu.wait_dma2 semaphore(%arg9 : memref<!tpu.dma_semaphore, #tpu.memory_space<semaphore_mem>>) src(%arg5 : memref<1x256xf32, #tpu.memory_space<vmem>>) dst(%dma_wait3A_112 : memref<1x256xf32, #tpu.memory_space<hbm>>)
    %dma_wait3A_113 = arith.constant 0 : i32
    %dma_wait3A_114 = tpu.memref_slice %arg4[%add3A_48, %dma_wait3A_113] : memref<256x256xf32, #tpu.memory_space<hbm>> -> memref<1x256xf32, #tpu.memory_space<hbm>>
    %dma_wait3A_115 = arith.constant 0 : i32
    %dma_wait3A_116 = tpu.memref_slice %arg4[%add3A_48, %dma_wait3A_115] : memref<256x256xf32, #tpu.memory_space<hbm>> -> memref<1x256xf32, #tpu.memory_space<hbm>>
    tpu.wait_dma2 semaphore(%arg9 : memref<!tpu.dma_semaphore, #tpu.memory_space<semaphore_mem>>) src(%arg5 : memref<1x256xf32, #tpu.memory_space<vmem>>) dst(%dma_wait3A_116 : memref<1x256xf32, #tpu.memory_space<hbm>>)
    %dma_wait3A_117 = arith.constant 0 : i32
    %dma_wait3A_118 = tpu.memref_slice %arg4[%add3A_56, %dma_wait3A_117] : memref<256x256xf32, #tpu.memory_space<hbm>> -> memref<1x256xf32, #tpu.memory_space<hbm>>
    %dma_wait3A_119 = arith.constant 0 : i32
    %dma_wait3A_120 = tpu.memref_slice %arg4[%add3A_56, %dma_wait3A_119] : memref<256x256xf32, #tpu.memory_space<hbm>> -> memref<1x256xf32, #tpu.memory_space<hbm>>
    tpu.wait_dma2 semaphore(%arg9 : memref<!tpu.dma_semaphore, #tpu.memory_space<semaphore_mem>>) src(%arg5 : memref<1x256xf32, #tpu.memory_space<vmem>>) dst(%dma_wait3A_120 : memref<1x256xf32, #tpu.memory_space<hbm>>)
    %dma_wait3A_121 = arith.constant 0 : i32
    %dma_wait3A_122 = tpu.memref_slice %arg4[%add3A_64, %dma_wait3A_121] : memref<256x256xf32, #tpu.memory_space<hbm>> -> memref<1x256xf32, #tpu.memory_space<hbm>>
    %dma_wait3A_123 = arith.constant 0 : i32
    %dma_wait3A_124 = tpu.memref_slice %arg4[%add3A_64, %dma_wait3A_123] : memref<256x256xf32, #tpu.memory_space<hbm>> -> memref<1x256xf32, #tpu.memory_space<hbm>>
    tpu.wait_dma2 semaphore(%arg9 : memref<!tpu.dma_semaphore, #tpu.memory_space<semaphore_mem>>) src(%arg5 : memref<1x256xf32, #tpu.memory_space<vmem>>) dst(%dma_wait3A_124 : memref<1x256xf32, #tpu.memory_space<hbm>>)
    %dma_wait3A_125 = arith.constant 0 : i32
    %dma_wait3A_126 = tpu.memref_slice %arg4[%add3A_72, %dma_wait3A_125] : memref<256x256xf32, #tpu.memory_space<hbm>> -> memref<1x256xf32, #tpu.memory_space<hbm>>
    %dma_wait3A_127 = arith.constant 0 : i32
    %dma_wait3A_128 = tpu.memref_slice %arg4[%add3A_72, %dma_wait3A_127] : memref<256x256xf32, #tpu.memory_space<hbm>> -> memref<1x256xf32, #tpu.memory_space<hbm>>
    tpu.wait_dma2 semaphore(%arg9 : memref<!tpu.dma_semaphore, #tpu.memory_space<semaphore_mem>>) src(%arg5 : memref<1x256xf32, #tpu.memory_space<vmem>>) dst(%dma_wait3A_128 : memref<1x256xf32, #tpu.memory_space<hbm>>)
    %dma_wait3A_129 = arith.constant 0 : i32
    %dma_wait3A_130 = tpu.memref_slice %arg4[%add3A_80, %dma_wait3A_129] : memref<256x256xf32, #tpu.memory_space<hbm>> -> memref<1x256xf32, #tpu.memory_space<hbm>>
    %dma_wait3A_131 = arith.constant 0 : i32
    %dma_wait3A_132 = tpu.memref_slice %arg4[%add3A_80, %dma_wait3A_131] : memref<256x256xf32, #tpu.memory_space<hbm>> -> memref<1x256xf32, #tpu.memory_space<hbm>>
    tpu.wait_dma2 semaphore(%arg9 : memref<!tpu.dma_semaphore, #tpu.memory_space<semaphore_mem>>) src(%arg5 : memref<1x256xf32, #tpu.memory_space<vmem>>) dst(%dma_wait3A_132 : memref<1x256xf32, #tpu.memory_space<hbm>>)
    %dma_wait3A_133 = arith.constant 0 : i32
    %dma_wait3A_134 = tpu.memref_slice %arg4[%add3A_88, %dma_wait3A_133] : memref<256x256xf32, #tpu.memory_space<hbm>> -> memref<1x256xf32, #tpu.memory_space<hbm>>
    %dma_wait3A_135 = arith.constant 0 : i32
    %dma_wait3A_136 = tpu.memref_slice %arg4[%add3A_88, %dma_wait3A_135] : memref<256x256xf32, #tpu.memory_space<hbm>> -> memref<1x256xf32, #tpu.memory_space<hbm>>
    tpu.wait_dma2 semaphore(%arg9 : memref<!tpu.dma_semaphore, #tpu.memory_space<semaphore_mem>>) src(%arg5 : memref<1x256xf32, #tpu.memory_space<vmem>>) dst(%dma_wait3A_136 : memref<1x256xf32, #tpu.memory_space<hbm>>)
    %dma_wait3A_137 = arith.constant 0 : i32
    %dma_wait3A_138 = tpu.memref_slice %arg4[%add3A_100, %dma_wait3A_137] : memref<256x256xf32, #tpu.memory_space<hbm>> -> memref<8x256xf32, #tpu.memory_space<hbm>>
    %dma_wait3A_139 = arith.constant 0 : i32
    %dma_wait3A_140 = tpu.memref_slice %arg4[%add3A_100, %dma_wait3A_139] : memref<256x256xf32, #tpu.memory_space<hbm>> -> memref<8x256xf32, #tpu.memory_space<hbm>>
    tpu.wait_dma2 semaphore(%arg9 : memref<!tpu.dma_semaphore, #tpu.memory_space<semaphore_mem>>) src(%arg6 : memref<8x256xf32, #tpu.memory_space<vmem>>) dst(%dma_wait3A_140 : memref<8x256xf32, #tpu.memory_space<hbm>>)
    return
  }
}

</mosaic_0001>

<sc_bundles>
// kernel: kernel.3.cloned.1.call-start
scs
__scs_entry_jumppad:
0x0: {  	(pc) =	sbr.rel $0x88, $3  }
0x1: {  	(tag) =	ssettag $0x0;
	lr =	simm.s32 $0x1  }
0x2: {  	[smem:$0x3F9F] =	sst lr;
	_ =	strace $0xD0000000  }
0x3: {  	_ = 	snop  }
0x4: {  	_ = 	snop  }
0x5: {  	_ = 	snop  }
0x6: {  	_ = 	snop  }
0x7: {  	_ = 	snop  }
__scs_overlays_trampoline_lowered:
0x8: {  	[smem:$0x3FAE] =	sst s0  }
0x9: {  	[smem:$0x3FAF] =	sst s1  }
0xa: {  	[smem:$0x3FB0] =	sst s2  }
0xb: {  	[smem:$0x3FB1] =	sst s3  }
0xc: {  	[smem:$0x3FB2] =	sst s4  }
0xd: {  	[smem:$0x3FB3] =	sst s5  }
0xe: {  	[smem:$0x3FB4] =	sst s6  }
0xf: {  	[smem:$0x3FB5] =	sst s7  }
0x10: {  	[smem:$0x3FB6] =	sst s8  }
0x11: {  	[smem:$0x3FB7] =	sst s9;
	s0 =	simm.s32 @!p0 $0x0  }
0x12: {  	s1 =	sld [smem:$0x3F9D];
	s0 =	simm.s32 @p0 $0x1  }
0x13: {  	[smem:$0x3FB8] =	sst s0;
	s0 =	simm.s32 @!p1 $0x0  }
0x14: {  	s2 =	sld [smem:$0x3F9C];
	s0 =	simm.s32 @p1 $0x1  }
0x15: {  	[smem:$0x3FB9] =	sst s0;
	s0 =	simm.s32 @!p2 $0x0  }
0x16: {  	s3 =	sld [smem:$0x3FDB];
	s0 =	simm.s32 @p2 $0x1  }
0x17: {  	s4 =	simm.s32 $0x1BF5;
	[smem:$0x3FBB] =	sst s0  }
0x18: {  	s0 =	sld [smem:$0x3F9E];
	_ =	swait.ge [sflag:s4], $0x0  }
0x19: {  	s7 =	sld [smem:$0x3F9F]  }
0x1a: {  	s8 =	sadd.s32 $0xFFFFE003, lr  }
0x1b: {  	s9 =	sadd.s32 $0xFFFFFEF7, lr;
	s5 =	simm.s32 $0xFFFFFFFF;
	p2 =	slt.u32 s8, $0xFFFFF086  }
0x1c: {  	p1 =	slt.u32 s9, $0xF7A;
	s5 =	simm.s32 @!p2 $0x0  }
0x1d: {  	s5 =	simm.s32 @p1 $0x1;
	p0 =	seq.s32 s7, s2  }
0x1e: {  	s7 =	smul.u32 @!p0 $0xF7A, s2;
	p2 =	seq.s32 @!p0 s5, $0x0  }
0x1f: {  	s9 =	smul.u32 $0xF7A, s1;
	s8 =	simm.s32 @!p0 $0x1BF5;
	p2 =	por !p2, p0  }
0x20: {  	[sflag:s8] =	ssyncset.s32 @!p0 $0xFFFFF086;
	s6 =	sadd.s32 @!p0 s3, s7;
	s7 =	simm.s32 @!p0 $0x108  }
0x21: {  	s3 =	sadd.s32 s3, s9;
	s6 =	sadd.s32 @!p0 $0x88, s6;
	s7 =	simm.s32 @p2 $0x1082  }
0x22: {  	[simem:s7], [sflag:s8] =	dma.local @!p0 [hbm:s6], $0xF7A  }
0x23: {  	s9 =	sor.u32 $0xD0000000, s2;
	s6 =	simm.s32 $0x108;
	_ =	swait.ge @!p0 [sflag:s8], $0x0  }
0x24: {  	s3 =	sadd.s32 $0x88, s3;
	s6 =	simm.s32 @!p1 $0x1082;
	[sflag:s4] =	ssyncset.s32 $0xFFFFF086  }
0x25: {  	[simem:s6], [sflag:s4] =	dma.local [hbm:s3], $0xF7A  }
0x26: {  	[smem:$0x3F9F] =	sst s1;
	(tag) =	ssettag s2;
	_ =	strace s9  }
0x27: {  	s1 =	sld [smem:$0x3FAF]  }
0x28: {  	s2 =	sld [smem:$0x3FB0]  }
0x29: {  	s4 =	sld [smem:$0x3FB2]  }
0x2a: {  	p0 =	seq.s32 s5, $0x0;
	s5 =	sld [smem:$0x3FB3]  }
0x2b: {  	s6 =	sld [smem:$0x3FB4]  }
0x2c: {  	s7 =	sld [smem:$0x3FB5]  }
0x2d: {  	s3 =	simm.s32 $0x108;
	s8 =	sld [smem:$0x3FB6]  }
0x2e: {  	s3 =	simm.s32 @!p0 $0x1082;
	s9 =	sld [smem:$0x3FB7]  }
0x2f: {  	lr =	sadd.s32 s0, s3;
	s0 =	sld [smem:$0x3FAE]  }
0x30: {  	s3 =	sld [smem:$0x3FB1]  }
0x31: {  	[smem:$0x3FBA] =	sst s10  }
0x32: {  	s10 =	sld [smem:$0x3FB8];
	_ =	sdelay $0x3  }
0x33: {  	p0 =	seq.s32 s10, $0x1;
	s10 =	sld [smem:$0x3FBA];
	_ =	sdelay $0x3  }
0x34: {  	[smem:$0x3FBA] =	sst s10  }
0x35: {  	s10 =	sld [smem:$0x3FB9];
	_ =	sdelay $0x3  }
0x36: {  	p1 =	seq.s32 s10, $0x1;
	s10 =	sld [smem:$0x3FBA];
	_ =	sdelay $0x3  }
0x37: {  	[smem:$0x3FBA] =	sst s10  }
0x38: {  	s10 =	sld [smem:$0x3FBB]  }
0x39: {  	_ = 	snop;
	(pc) =	sbr.ind lr, $3  }
0x3a: {  	_ = 	snop  }
0x3b: {  	_ = 	snop  }
0x3c: {  	p2 =	seq.s32 s10, $0x1;
	s10 =	sld [smem:$0x3FBA]  }
0x3d: {  	_ =	shalt  }
0x3e: {  	_ =	shalt  }
0x3f: {  	_ =	shalt  }
0x40: {  	_ =	shalt  }
0x41: {  	_ =	shalt  }
0x42: {  	_ =	shalt  }
0x43: {  	_ =	shalt  }
0x44: {  	_ =	shalt  }
0x45: {  	_ =	shalt  }
0x46: {  	_ =	shalt  }
0x47: {  	_ =	shalt  }
0x48: {  	_ =	shalt  }
0x49: {  	_ =	shalt  }
0x4a: {  	_ =	shalt  }
0x4b: {  	_ =	shalt  }
0x4c: {  	_ =	shalt  }
0x4d: {  	_ =	shalt  }
0x4e: {  	_ =	shalt  }
0x4f: {  	_ =	shalt  }
0x50: {  	_ =	shalt  }
0x51: {  	_ =	shalt  }
0x52: {  	_ =	shalt  }
0x53: {  	_ =	shalt  }
0x54: {  	_ =	shalt  }
0x55: {  	_ =	shalt  }
0x56: {  	_ =	shalt  }
0x57: {  	_ =	shalt  }
0x58: {  	_ =	shalt  }
0x59: {  	_ =	shalt  }
0x5a: {  	_ =	shalt  }
0x5b: {  	_ =	shalt  }
0x5c: {  	_ =	shalt  }
0x5d: {  	_ =	shalt  }
0x5e: {  	_ =	shalt  }
0x5f: {  	_ =	shalt  }
0x60: {  	_ =	shalt  }
0x61: {  	_ =	shalt  }
0x62: {  	_ =	shalt  }
0x63: {  	_ =	shalt  }
0x64: {  	_ =	shalt  }
0x65: {  	_ =	shalt  }
0x66: {  	_ =	shalt  }
0x67: {  	_ =	shalt  }
0x68: {  	_ =	shalt  }
0x69: {  	_ =	shalt  }
0x6a: {  	_ =	shalt  }
0x6b: {  	_ =	shalt  }
0x6c: {  	_ =	shalt  }
0x6d: {  	_ =	shalt  }
0x6e: {  	_ =	shalt  }
0x6f: {  	_ =	shalt  }
0x70: {  	_ =	shalt  }
0x71: {  	_ =	shalt  }
0x72: {  	_ =	shalt  }
0x73: {  	_ =	shalt  }
0x74: {  	_ =	shalt  }
0x75: {  	_ =	shalt  }
0x76: {  	_ =	shalt  }
0x77: {  	_ =	shalt  }
0x78: {  	_ =	shalt  }
0x79: {  	_ =	shalt  }
0x7a: {  	_ =	shalt  }
0x7b: {  	_ =	shalt  }
0x7c: {  	_ =	shalt  }
0x7d: {  	_ =	shalt  }
0x7e: {  	_ =	shalt  }
0x7f: {  	_ =	shalt  }
0x80: {  	_ =	shalt  }
0x81: {  	_ =	shalt  }
0x82: {  	_ =	shalt  }
0x83: {  	_ =	shalt  }
0x84: {  	_ =	shalt  }
0x85: {  	_ =	shalt  }
0x86: {  	_ =	shalt  }
0x87: {  	_ =	shalt  }
.Lfunc_end0:
.L_simem_size_0:
called_computation_lowered:
.L_overlay_start_0:
0x88: {  	s0 =	sld [smem:$0x3FD9]  }
0x89: {  	s1 =	sld [smem:$0x3FFE];
	_ =	sdelay $0x3  }
0x8a: {  	s0 =	sadd.s32 s1, s0  }
0x8b: {  	[smem:$0x3FC6] =	sst s0  }
0x8c: {  	_ = 	snop  }
0x8d: {  	s0 =	sld [smem:$0x3FC8]  }
0x8e: {  	s16 =	sld [smem:$0x3FD0];
	(tm) =	ssettm $0x1  }
0x8f: {  	s2 =	sld [smem:$0x3FFB];
	_ =	sdelay $0x3  }
0x90: {  	_ =	strace s2  }
0x91: {  	s2 =	sld [smem:$0x3FFC];
	_ =	sdelay $0x3  }
0x92: {  	_ =	strace s2  }
0x93: {  	s2 =	sld [smem:$0x3FFD];
	_ =	sdelay $0x3  }
0x94: {  	_ =	strace s2  }
0x95: {  	_ =	strace $0x8FFFFFFF  }
0x96: {  	s17 =	sld [smem:$0x3FDB];
	_ =	sdelay $0x1  }
0x97: {  	s3 =	simm.s32 $_scs_section_size  }
0x98: {  	s4 =	simm.s32 $_size__tile_overlayer_lowered;
	s5 =	simm.s32 $_tile_overlayer_lowered  }
0x99: {  	s20 =	simm.s32 $0x1BFF;
	s19 =	sshll.u32 s5, $0x1;
	s2 =	sadd.s32 s3, s17  }
0x9a: {  	s6 =	simm.s32 $0x0;
	s18 =	sshll.u32 s4, $0x1;
	s4 =	sadd.s32 s19, s2  }
0x9b: {  	[timem:s6], [sflag:s20] =	dma.local [hbm:s4], s18  }
0x9c: {  	_ =	swait.ge [sflag:s20], s18  }
0x9d: {  	s3 =	ssub.s32 $0x0, s18;
	[sflag:s20] =	ssyncset.done $0x0  }
0x9e: {  	[sflag:s20] =	ssyncadd.s32 s3;
	_ =	sdelay $0x1  }
0x9f: {  	s21 =	simm.s32 $0x1B8B  }
0xa0: {  	_ =	swait.ge [sflag:s21], $0x1  }
0xa1: {  	[sflag:s21] =	ssyncset.done $0x0  }
0xa2: {  	s23 =	simm.s32 $0x1B8E;
	s22 =	sld [smem:$0x3FFE];
	[sflag:s21] =	ssyncadd.s32 $0xFFFFFFFF  }
0xa3: {  	s24 =	simm.s32 $execute0_lowered;
	[smem:$0x3FD2] =	sst s23  }
0xa4: {  	s4 =	sshll.u32 s24, $0x1;
	_ =	strace $0x80000046;
	[dreg:$0x1] =	wrdreg $0xFFFFFFFF  }
0xa5: {  	s25 =	simm.s32 $_size_execute0_lowered;
	s2 =	sadd.s32 s2, s4;
	[dreg:$0x0] =	wrdreg $0x0  }
0xa6: {  	s4 =	sshll.u32 s25, $0x1;
	[dreg:$0x2] =	wrdreg s2  }
0xa7: {  	[dreg:$0x3] =	wrdreg s4  }
0xa8: {  	[dreg:$0x4] =	wrdreg $0xC0  }
0xa9: {  	_ =	task [dreg:s6], $0x5FFFF  }
0xaa: {  	[dreg:$0x1] =	wrdreg $0xFFFFFFFF  }
0xab: {  	[dreg:$0x0] =	wrdreg $0x60  }
0xac: {  	[dreg:$0x2] =	wrdreg s22  }
0xad: {  	[dreg:$0x3] =	wrdreg s0  }
0xae: {  	[dreg:$0x4] =	wrdreg s16  }
0xaf: {  	[dreg:$0x5] =	wrdreg $0x9  }
0xb0: {  	_ =	task.clear_ibuf [dreg:s6], $0x6FFFF;
	_ =	strace $0x90000046  }
0xb1: {  	s26 =	simm.s32 $0x9;
	_ =	strace $0x80000048  }
0xb2: {  	_ =	swait.ge [sflag:s26], $0x1  }
0xb3: {  	[sflag:s26] =	ssyncadd.s32 $0xFFFFFFFF  }
0xb4: {  	_ =	strace $0x90000048  }
0xb5: {  	_ =	sfence  }
0xb6: {  	s28 =	sld [smem:$0x0];
	_ =	sdelay $0x1  }
0xb7: {  	s29 =	srdreg.scid  }
0xb8: {  	s30 =	sshll.u32 s29, $0xD;
	s31 =	sshrl.u32 s29, $0x2  }
0xb9: {  	s1 =	sand.u32 $0x1, s29;
	s2 =	sand.u32 $0x4000, s30;
	s0 =	sadd.s32 s31, s28  }
0xba: {  	s1 =	sor.u32 s2, s1;
	s0 =	sshll.u32 s0, $0x11  }
0xbb: {  	s0 =	sor.u32 s0, s1  }
0xbc: {  	s0 =	sadd.s32 $0x8F2B, s0  }
0xbd: {  	[sflag:s0] =	ssyncadd.remote.s32 $0x1  }
0xbe: {  	_ =	sfence.sel $0xFFFF  }
0xbf: {  	[dreg:$0x0] =	wrdreg $0xFFFFFFFF;
	(pc) =	sbr.abs _section_cstart, $3  }
0xc0: {  	[dreg:$0x1] =	wrdreg $0xFFFFFFFF  }
0xc1: {  	_ =	task.clear_ibuf [dreg:s6], $0x2FFFF;
	_ =	strace $0x9FFFFFFF  }
0xc2: {  	(tm) =	ssettm $0x7FFFFFFF  }
0xc3: {  	_ =	shalt  }
tec
execute0_lowered:
.L_overlay_start_1:
0x0: {  	(tag) =	ssettag $0x1  }
0x1: {  	s2 =	rddreg [dreg:$0x0]  }
0x2: {  	s3 =	rddreg [dreg:$0x1]  }
0x3: {  	s4 =	rddreg [dreg:$0x2]  }
0x4: {  	s0 =	stileid.u32;
	s6 =	simm.s32 $0x6C491730;
	s1 =	rddreg [dreg:$0x3]  }
0x5: {  	s8 =	simm.s32 $0xE3970B25;
	p0 =	slt.u32 s0, $0x8;
	s5 =	sshll.u32 s0, $0x2  }
0x6: {  	s7 =	simm.s32 $0x0;
	s5 =	sand.u32 $0x1C, s5;
	s6 =	simm.s32 @!p0 $0xBDE5A8F2  }
0x7: {  	s16 =	simm.s32 $0x100;
	s8 =	simm.s32 @!p0 $0xFCA846D1;
	s6 =	sshra.s32 s6, s5  }
0x8: {  	s5 =	sshra.s32 s8, s5;
	s9 =	sshll.u32 s6, $0x8;
	s6 =	sshll.u32 s6, $0x7  }
0x9: {  	s5 =	sshll.u32 s5, $0x8;
	s9 =	sand.u32 $0x800, s9;
	s6 =	sand.u32 $0x380, s6  }
0xa: {  	[smem:$0x7FF] =	sst s7;
	s5 =	sand.u32 $0xF00, s5;
	s6 =	sor.u32 s6, s9  }
0xb: {  	_ =	strace $0x80000047;
	s3 =	sadd.s32 s3, s5;
	s6 =	sshrl.u32 s6, $0x3  }
0xc: {  	[tilespmem:s16], [sflag:$0x2] =	stream.linear.gather [hbm4b:s3+s7], $0x800, $0x38;
	[tilespmem:$0x900] =	vst v63  }
0xd: {  	s17 =	simm.s32 $0x80;
	s2 =	sadd.s32 s6, s2  }
0xe: {  	s18 =	simm.s32 $0x400;
	s19 =	simm.s32 $0x1;
	s2 =	sadd.s32 $0x400, s2  }
0xf: {  	[tilespmem:s7], [sflag:$0x1] =	stream.strided.gather [hbm4b:s2+s17], $0x100, s18, s17, $0x38;
	[tilespmem:$0x900] =	vst v63  }
0x10: {  	_ =	swait.ge [sflag:s19], $0x100  }
0x11: {  	s20 =	sshll.u32 s0, $0x9;
	[sflag:s19] =	ssyncset.done $0x0  }
0x12: {  	s4 =	sadd.s32 s4, s20;
	[sflag:s19] =	ssyncadd.s32 $0xFFFFFF00  }
0x13: {  	[hbm4b:s4+s17] =	stream.strided.scatter [tilespmem:s7], [sflag:$0x3], $0x100, s18, s17, $0x38;
	[tilespmem:$0x900] =	vst v63  }
0x14: {  	s21 =	sadd.s32 $0x10, s4  }
0x15: {  	[hbm4b:s21+s17] =	stream.strided.scatter [tilespmem:s7], [sflag:$0x3], $0x100, s18, s17, $0x38;
	[tilespmem:$0x900] =	vst v63  }
0x16: {  	s22 =	sadd.s32 $0x20, s4  }
0x17: {  	[hbm4b:s22+s17] =	stream.strided.scatter [tilespmem:s7], [sflag:$0x3], $0x100, s18, s17, $0x38;
	[tilespmem:$0x900] =	vst v63  }
0x18: {  	s23 =	sadd.s32 $0x30, s4  }
0x19: {  	[hbm4b:s23+s17] =	stream.strided.scatter [tilespmem:s7], [sflag:$0x3], $0x100, s18, s17, $0x38;
	[tilespmem:$0x900] =	vst v63  }
0x1a: {  	s24 =	sadd.s32 $0x40, s4  }
0x1b: {  	[hbm4b:s24+s17] =	stream.strided.scatter [tilespmem:s7], [sflag:$0x3], $0x100, s18, s17, $0x38;
	[tilespmem:$0x900] =	vst v63  }
0x1c: {  	s25 =	sadd.s32 $0x50, s4  }
0x1d: {  	[hbm4b:s25+s17] =	stream.strided.scatter [tilespmem:s7], [sflag:$0x3], $0x100, s18, s17, $0x38;
	[tilespmem:$0x900] =	vst v63  }
0x1e: {  	s26 =	sadd.s32 $0x60, s4  }
0x1f: {  	[hbm4b:s26+s17] =	stream.strided.scatter [tilespmem:s7], [sflag:$0x3], $0x100, s18, s17, $0x38;
	[tilespmem:$0x900] =	vst v63  }
0x20: {  	s29 =	simm.s32 $0x2;
	s28 =	sadd.s32 $0x70, s4  }
0x21: {  	[hbm4b:s28+s17] =	stream.strided.scatter [tilespmem:s7], [sflag:$0x3], $0x100, s18, s17, $0x38;
	[tilespmem:$0x900] =	vst v63  }
0x22: {  	_ =	swait.ge [sflag:s29], $0x800  }
0x23: {  	[sflag:s29] =	ssyncset.done $0x0  }
0x24: {  	s31 =	simm.s32 $0x3;
	s30 =	sadd.s32 $0x100, s4;
	[sflag:s29] =	ssyncadd.s32 $0xFFFFF800  }
0x25: {  	[hbm4b:s30+s7] =	stream.linear.scatter [tilespmem:s16], [sflag:$0x3], $0x800, $0x38;
	[tilespmem:$0x900] =	vst v63  }
0x26: {  	_ =	swait.ge [sflag:s31], $0x100  }
0x27: {  	[sflag:s31] =	ssyncset.done $0x0  }
0x28: {  	[sflag:s31] =	ssyncadd.s32 $0xFFFFFF00  }
0x29: {  	_ =	swait.ge [sflag:s31], $0x100  }
0x2a: {  	[sflag:s31] =	ssyncset.done $0x0  }
0x2b: {  	[sflag:s31] =	ssyncadd.s32 $0xFFFFFF00  }
0x2c: {  	_ =	swait.ge [sflag:s31], $0x100  }
0x2d: {  	[sflag:s31] =	ssyncset.done $0x0  }
0x2e: {  	[sflag:s31] =	ssyncadd.s32 $0xFFFFFF00  }
0x2f: {  	_ =	swait.ge [sflag:s31], $0x100  }
0x30: {  	[sflag:s31] =	ssyncset.done $0x0  }
0x31: {  	[sflag:s31] =	ssyncadd.s32 $0xFFFFFF00  }
0x32: {  	_ =	swait.ge [sflag:s31], $0x100  }
0x33: {  	[sflag:s31] =	ssyncset.done $0x0  }
0x34: {  	[sflag:s31] =	ssyncadd.s32 $0xFFFFFF00  }
0x35: {  	_ =	swait.ge [sflag:s31], $0x100  }
0x36: {  	[sflag:s31] =	ssyncset.done $0x0  }
0x37: {  	[sflag:s31] =	ssyncadd.s32 $0xFFFFFF00  }
0x38: {  	_ =	swait.ge [sflag:s31], $0x100  }
0x39: {  	[sflag:s31] =	ssyncset.done $0x0  }
0x3a: {  	[sflag:s31] =	ssyncadd.s32 $0xFFFFFF00  }
0x3b: {  	_ =	swait.ge [sflag:s31], $0x100  }
0x3c: {  	[sflag:s31] =	ssyncset.done $0x0  }
0x3d: {  	[sflag:s31] =	ssyncadd.s32 $0xFFFFFF00  }
0x3e: {  	_ =	swait.ge [sflag:s31], $0x800  }
0x3f: {  	[sflag:s31] =	ssyncset.done $0x0  }
0x40: {  	[sflag:s31] =	ssyncadd.s32 $0xFFFFF800  }
0x41: {  	_ =	sfence.sel $0x180000  }
0x42: {  	[bflag:$0x0] =	sbarrier.arrive $0xFFFF  }
0x43: {  	p0 =	sne.s32 s0, $0x0;
	_ =	strace $0x90000047  }
0x44: {  	s0 =	sadd.s32 @!p0 $0x100000, s1;
	[bflag:$0x2] =	sbarrier.arrive $0xFFFF  }
0x45: {  	[sflag:s0] =	ssyncadd.tile.s32 @!p0 $0x1;
	_ =	shalt  }
.Lfunc_end2:
_tile_overlayer_lowered:
.L_overlay_start_2:
0x46: {  	(tag) =	ssettag $0x2  }
0x47: {  	s0 =	rddreg [dreg:$0x0];
	s2 =	stileid.u32  }
0x48: {  	s1 =	rddreg [dreg:$0x1];
	p0 =	sne.s32 s2, $0x0  }
0x49: {  	s3 =	rddreg [dreg:$0x2];
	[bflag:$0x3] =	sbarrier.arrive $0xFFFF;
	s2 =	simm.s32 @!p0 $0x1C04  }
0x4a: {  	[timem:s3], [sflag:s2] =	dma.local @!p0 [hbm:s0], s1  }
0x4b: {  	s0 =	simm.s32 @!p0 $0x4  }
0x4c: {  	_ =	swait.ge @!p0 [sflag:s0], s1  }
0x4d: {  	s1 =	ssub.s32 @!p0 $0x0, s1;
	[sflag:s0] =	ssyncset.done @!p0 $0x0  }
0x4e: {  	[sflag:s0] =	ssyncadd.s32 @!p0 s1  }
0x4f: {  	[bflag:$0x3] =	sbarrier.arrive $0xFFFF  }
0x50: {  	_ =	shalt  }

</sc_bundles>
